<compile_context>
chip_gen: v7x
topology: tpu7x:2x2x1
jax: 0.10.2.dev20260603
libtpu: 0.0.44.dev20260713+nightly
codegen_flags: <defaults>
</compile_context>

<pallas_src>
import functools

import jax
import jax.numpy as jnp
import numpy as np
from jax import lax
from jax.experimental import pallas as pl
from jax.experimental.pallas import tpu as pltpu
from jax.experimental.pallas import tpu_sc as plsc

_KS1 = np.uint32(42)
_KS2 = np.uint32(0 ^ 42 ^ 0x1BD11BDA)

_ROT_A = (13, 15, 26, 6)
_ROT_B = (17, 29, 16, 24)

_SQ2 = float(np.sqrt(2.0))


def _rotl(x, d):
    return (x << np.uint32(d)) | (x >> np.uint32(32 - d))


def _rounds(x0, x1, rots):
    for r in rots:
        x0 = x0 + x1
        x1 = _rotl(x1, r)
        x1 = x0 ^ x1
    return x0, x1


def _threefry_bits(j):
    x1 = j + _KS1
    x0 = x1
    x1 = x0 ^ _rotl(x1, _ROT_A[0])
    for r in _ROT_A[1:]:
        x0 = x0 + x1
        x1 = _rotl(x1, r)
        x1 = x0 ^ x1
    x0 = x0 + _KS1
    x1 = x1 + np.uint32(int(_KS2) + 1)
    x0, x1 = _rounds(x0, x1, _ROT_B)
    x0 = x0 + _KS2
    x1 = x1 + np.uint32(2)
    x0, x1 = _rounds(x0, x1, _ROT_A)
    x1 = x1 + np.uint32(int(_KS1) + 3)
    x0, x1 = _rounds(x0, x1, _ROT_B)
    x0 = x0 + _KS1
    x1 = x1 + np.uint32(int(_KS2) + 4)
    x0, x1 = _rounds(x0, x1, _ROT_A)
    x0 = x0 + _KS2
    x1 = x1 + np.uint32(5)
    return x0 ^ x1


def _bits_to_normal(bits):
    m = (bits >> np.uint32(9)).astype(jnp.float32)
    lo = np.nextafter(np.float32(-1.0), np.float32(0.0), dtype=np.float32)
    s = np.float32(np.float32(1.0) - lo)
    c0 = np.float32(np.float64(s) * 2.0 ** -23)
    u = m * c0 + lo
    w = -jnp.log1p(-u * u)
    small = w < np.float32(5.0)
    ws = w - np.float32(2.5)
    p = jnp.full_like(w, np.float32(_SQ2 * 0.000218581))
    for c in (-0.00125372503, -0.00417768164, 0.246640727, 1.50140941):
        p = np.float32(_SQ2 * c) + p * ws
    wl = jnp.sqrt(w) - np.float32(3.0)
    q = jnp.full_like(w, np.float32(_SQ2 * 0.00943887047))
    for c in (1.00167406, 2.83297682):
        q = np.float32(_SQ2 * c) + q * wl
    return jnp.where(small, p, q) * u


def _coeff_gather_sc(t, sab, s1m):
    batch = t.shape[0]
    info = plsc.get_sparse_core_info()
    n_cores = info.num_cores
    lanes = info.num_lanes
    n_chunks = batch // lanes

    mesh = plsc.VectorSubcoreMesh(core_axis_name="c", subcore_axis_name="s")

    @functools.partial(
        pl.kernel,
        mesh=mesh,
        out_type=[
            jax.ShapeDtypeStruct((1, batch), jnp.float32),
            jax.ShapeDtypeStruct((1, batch), jnp.float32),
        ],
        scratch_types=[
            pltpu.VMEM((lanes,), jnp.int32),
            pltpu.VMEM((lanes,), jnp.float32),
            pltpu.VMEM((lanes,), jnp.float32),
            pltpu.VMEM(sab.shape, jnp.float32),
            pltpu.VMEM(s1m.shape, jnp.float32),
        ],
        compiler_params=pltpu.CompilerParams(needs_layout_passes=False),
    )
    def gather_kernel(t_hbm, sab_hbm, s1m_hbm, c1_hbm, c2_hbm,
                      idx_v, v1_v, v2_v, sab_v, s1m_v):
        wid = lax.axis_index("s") * n_cores + lax.axis_index("c")

        @pl.when(wid < n_chunks)
        def _():
            base = wid * lanes
            pltpu.sync_copy(t_hbm.at[pl.ds(base, lanes)], idx_v)
            pltpu.sync_copy(sab_hbm, sab_v)
            pltpu.sync_copy(s1m_hbm, s1m_v)
            idx = idx_v[...]
            v1_v[...] = plsc.load_gather(sab_v, [idx])
            v2_v[...] = plsc.load_gather(s1m_v, [idx])
            pltpu.sync_copy(v1_v, c1_hbm.at[0, pl.ds(base, lanes)])
            pltpu.sync_copy(v2_v, c2_hbm.at[0, pl.ds(base, lanes)])

    return gather_kernel(t, sab, s1m)


def _tc_body(wid_sz, per_sample, h_blk, c1_ref, c2_ref, x_ref, xt_ref, n_ref):
    c = pl.program_id(0)
    hb = pl.program_id(1)

    shape = x_ref.shape
    base = (c * (per_sample // 3) + hb * (h_blk * wid_sz)).astype(jnp.uint32)
    h_i = lax.broadcasted_iota(jnp.uint32, shape, 1)
    w_i = lax.broadcasted_iota(jnp.uint32, shape, 2)
    b_i = lax.broadcasted_iota(jnp.uint32, shape, 3)
    j = base + h_i * np.uint32(wid_sz) + w_i + b_i * np.uint32(per_sample)

    noise = _bits_to_normal(_threefry_bits(j))
    n_ref[...] = noise
    c1v = c1_ref[...].reshape(1, 1, 1, shape[3])
    c2v = c2_ref[...].reshape(1, 1, 1, shape[3])
    xt_ref[...] = c1v * x_ref[...] + c2v * noise


@jax.jit
def kernel(x_0, t, sqrt_alphas_bar, sqrt_one_minus_alphas_bar):
    batch, n_chan, hgt, wid = x_0.shape
    per_sample = n_chan * hgt * wid

    c1, c2 = _coeff_gather_sc(t, sqrt_alphas_bar, sqrt_one_minus_alphas_bar)

    x_t = jnp.transpose(x_0, (1, 2, 3, 0))

    h_blk = 28
    body = functools.partial(_tc_body, wid, per_sample, h_blk)
    blk = (1, h_blk, wid, batch)
    xtT, noiseT = pl.pallas_call(
        body,
        grid=(n_chan, hgt // h_blk),
        in_specs=[
            pl.BlockSpec((1, batch), lambda c, h: (0, 0)),
            pl.BlockSpec((1, batch), lambda c, h: (0, 0)),
            pl.BlockSpec(blk, lambda c, h: (c, h, 0, 0)),
        ],
        out_specs=[
            pl.BlockSpec(blk, lambda c, h: (c, h, 0, 0)),
            pl.BlockSpec(blk, lambda c, h: (c, h, 0, 0)),
        ],
        out_shape=[
            jax.ShapeDtypeStruct((n_chan, hgt, wid, batch), jnp.float32),
            jax.ShapeDtypeStruct((n_chan, hgt, wid, batch), jnp.float32),
        ],
        compiler_params=pltpu.CompilerParams(
            dimension_semantics=("parallel", "parallel"),
        ),
    )(c1, c2, x_t)
    return (jnp.transpose(xtT, (3, 0, 1, 2)),
            jnp.transpose(noiseT, (3, 0, 1, 2)))

# --- scband reference (transcript-rebuilt; emitter-appended) ---
"""Pipeline reference for scband-add-noise-30227979829441 (READ-ONLY COPY).

The authoritative reference and input builder live on the scoring server;
editing this copy changes nothing except your own understanding.
"""

import jax, jax.numpy as jnp
import numpy as np


def setup_inputs(seed: int = 0) -> dict:
    key = jax.random.key(seed)
    k1, k2 = jax.random.split(key)
    x_0 = jax.random.normal(k1, (128, 3, 224, 224), dtype=jnp.float32)
    t = jax.random.randint(k2, (128,), 0, 1000, dtype=jnp.int32)
    # buffers computed exactly as in the torch __init__
    T = 1000
    betas = np.linspace(0.0001, 0.02, T, dtype=np.float64)
    alphas = 1.0 - betas
    alphas_bar = np.cumprod(alphas)
    sqrt_alphas_bar = jnp.asarray(np.sqrt(alphas_bar), dtype=jnp.float32)
    sqrt_one_minus_alphas_bar = jnp.asarray(np.sqrt(1.0 - alphas_bar), dtype=jnp.float32)
    return {
        "x_0": x_0,
        "t": t,
        "sqrt_alphas_bar": sqrt_alphas_bar,
        "sqrt_one_minus_alphas_bar": sqrt_one_minus_alphas_bar,
    }


def _extract(v, t, x_shape):
    out = jnp.take(v, t, axis=0).astype(jnp.float32)
    return out.reshape((t.shape[0],) + (1,) * (len(x_shape) - 1))


def reference(x_0, t, sqrt_alphas_bar, sqrt_one_minus_alphas_bar):
    # torch.randn_like(x_0) -> deterministic jax equivalent with fixed key
    noise = jax.random.normal(jax.random.key(42), x_0.shape, dtype=x_0.dtype)
    c1 = _extract(sqrt_alphas_bar, t, x_0.shape)
    c2 = _extract(sqrt_one_minus_alphas_bar, t, x_0.shape)
    x_t = c1 * x_0 + c2 * noise
    return (x_t, noise)

if __name__ == "__main__":
    import jax
    _d = setup_inputs()
    print(jax.jit(kernel)(*tuple(_d.values())))

</pallas_src>

<mosaic_0001>
#map = affine_map<(d0, d1) -> (0)>
#map1 = affine_map<(d0, d1) -> (0, 0)>
module attributes {stable_mosaic.version = 14 : i64} {
  func.func @gather_kernel(%arg0: i32, %arg1: i32, %arg2: memref<128xi32, #tpu.memory_space<hbm>>, %arg3: memref<1000xf32, #tpu.memory_space<hbm>>, %arg4: memref<1000xf32, #tpu.memory_space<hbm>>, %arg5: memref<1x128xf32, #tpu.memory_space<hbm>>, %arg6: memref<1x128xf32, #tpu.memory_space<hbm>>, %arg7: memref<16xi32, #tpu.memory_space<vmem>>, %arg8: memref<16xf32, #tpu.memory_space<vmem>>, %arg9: memref<16xf32, #tpu.memory_space<vmem>>, %arg10: memref<1000xf32, #tpu.memory_space<vmem>>, %arg11: memref<1000xf32, #tpu.memory_space<vmem>>) attributes {dimension_semantics = [#tpu.dimension_semantics<core_parallel>, #tpu.dimension_semantics<subcore_parallel>], iteration_bounds = array<i64: 2, 16>, scalar_prefetch = 0 : i64, scratch_operands = 5 : i64, tpu.core_type = #tpu.core_type<sc_vector_subcore>, window_params = [{transform_indices = #map}, {transform_indices = #map}, {transform_indices = #map}, {transform_indices = #map1}, {transform_indices = #map1}]} {
    %mul3A = arith.constant 2 : i32
    %mul3A_0 = arith.muli %arg1, %mul3A : i32
    %add3A = arith.addi %mul3A_0, %arg0 : i32
    %lt3A = arith.constant 8 : i32
    %lt3A_1 = arith.cmpi slt, %add3A, %lt3A : i32
    %convert_element_type3A = arith.extui %lt3A_1 : i1 to i32
    %cond3A = arith.constant 0 : i32
    %cond3A_2 = arith.cmpi ne, %convert_element_type3A, %cond3A : i32
    scf.if %cond3A_2 {
      %mul3A_3 = arith.constant 16 : i32
      %mul3A_4 = arith.muli %add3A, %mul3A_3 : i32
      "tpu.region"() ({
        %run_scoped3A_11 = tpu.sem_alloc : memref<!tpu.dma_semaphore, #tpu.memory_space<semaphore_mem>>
        %dma_start3A = tpu.memref_slice %arg2[%mul3A_4] : memref<128xi32, #tpu.memory_space<hbm>> -> memref<16xi32, #tpu.memory_space<hbm>>
        %dma_start3A_12 = tpu.memref_slice %arg2[%mul3A_4] : memref<128xi32, #tpu.memory_space<hbm>> -> memref<16xi32, #tpu.memory_space<hbm>>
        tpu.enqueue_dma source(%dma_start3A_12 : memref<16xi32, #tpu.memory_space<hbm>>) target(%arg7 : memref<16xi32, #tpu.memory_space<vmem>>) target_semaphore(%run_scoped3A_11 : memref<!tpu.dma_semaphore, #tpu.memory_space<semaphore_mem>>)
        %dma_wait3A = tpu.memref_slice %arg2[%mul3A_4] : memref<128xi32, #tpu.memory_space<hbm>> -> memref<16xi32, #tpu.memory_space<hbm>>
        %dma_wait3A_13 = tpu.memref_slice %arg2[%mul3A_4] : memref<128xi32, #tpu.memory_space<hbm>> -> memref<16xi32, #tpu.memory_space<hbm>>
        tpu.wait_dma2 semaphore(%run_scoped3A_11 : memref<!tpu.dma_semaphore, #tpu.memory_space<semaphore_mem>>) src(%dma_wait3A_13 : memref<16xi32, #tpu.memory_space<hbm>>) dst(%arg7 : memref<16xi32, #tpu.memory_space<vmem>>)
        tpu.yield
      }) : () -> ()
      "tpu.region"() ({
        %run_scoped3A_11 = tpu.sem_alloc : memref<!tpu.dma_semaphore, #tpu.memory_space<semaphore_mem>>
        tpu.enqueue_dma source(%arg3 : memref<1000xf32, #tpu.memory_space<hbm>>) target(%arg10 : memref<1000xf32, #tpu.memory_space<vmem>>) target_semaphore(%run_scoped3A_11 : memref<!tpu.dma_semaphore, #tpu.memory_space<semaphore_mem>>)
        tpu.wait_dma2 semaphore(%run_scoped3A_11 : memref<!tpu.dma_semaphore, #tpu.memory_space<semaphore_mem>>) src(%arg3 : memref<1000xf32, #tpu.memory_space<hbm>>) dst(%arg10 : memref<1000xf32, #tpu.memory_space<vmem>>)
        tpu.yield
      }) : () -> ()
      "tpu.region"() ({
        %run_scoped3A_11 = tpu.sem_alloc : memref<!tpu.dma_semaphore, #tpu.memory_space<semaphore_mem>>
        tpu.enqueue_dma source(%arg4 : memref<1000xf32, #tpu.memory_space<hbm>>) target(%arg11 : memref<1000xf32, #tpu.memory_space<vmem>>) target_semaphore(%run_scoped3A_11 : memref<!tpu.dma_semaphore, #tpu.memory_space<semaphore_mem>>)
        tpu.wait_dma2 semaphore(%run_scoped3A_11 : memref<!tpu.dma_semaphore, #tpu.memory_space<semaphore_mem>>) src(%arg4 : memref<1000xf32, #tpu.memory_space<hbm>>) dst(%arg11 : memref<1000xf32, #tpu.memory_space<vmem>>)
        tpu.yield
      }) : () -> ()
      %get3A = arith.constant 0 : index
      %get3A_5 = tpu.vector_load %arg7[%get3A] {strides = array<i32>} : memref<16xi32, #tpu.memory_space<vmem>>, vector<16xi32>,
      %gather3A = tpu.vector_load_idx %arg10[%get3A_5] : memref<1000xf32, #tpu.memory_space<vmem>>[vector<16xi32>], vector<16xf32>,
      %swap3A = arith.constant 0 : index
      %swap3A_6 = tpu.vector_load %arg8[%swap3A] {strides = array<i32>} : memref<16xf32, #tpu.memory_space<vmem>>, vector<16xf32>,
      tpu.vector_store %arg8[%swap3A], %gather3A {strides = array<i32>} : memref<16xf32, #tpu.memory_space<vmem>>, vector<16xf32>,
      %gather3A_7 = tpu.vector_load_idx %arg11[%get3A_5] : memref<1000xf32, #tpu.memory_space<vmem>>[vector<16xi32>], vector<16xf32>,
      %swap3A_8 = arith.constant 0 : index
      %swap3A_9 = tpu.vector_load %arg9[%swap3A_8] {strides = array<i32>} : memref<16xf32, #tpu.memory_space<vmem>>, vector<16xf32>,
      tpu.vector_store %arg9[%swap3A_8], %gather3A_7 {strides = array<i32>} : memref<16xf32, #tpu.memory_space<vmem>>, vector<16xf32>,
      %run_scoped3A = arith.constant 0 : i32
      "tpu.region"() ({
        %run_scoped3A_11 = tpu.sem_alloc : memref<!tpu.dma_semaphore, #tpu.memory_space<semaphore_mem>>
        %dma_start3A = tpu.memref_slice %arg5[%run_scoped3A, %mul3A_4] : memref<1x128xf32, #tpu.memory_space<hbm>> -> memref<1x16xf32, #tpu.memory_space<hbm>>
        %dma_start3A_12 = tpu.memref_squeeze %dma_start3A : memref<1x16xf32, #tpu.memory_space<hbm>> -> memref<16xf32, #tpu.memory_space<hbm>>
        %dma_start3A_13 = tpu.memref_slice %arg5[%run_scoped3A, %mul3A_4] : memref<1x128xf32, #tpu.memory_space<hbm>> -> memref<1x16xf32, #tpu.memory_space<hbm>>
        %dma_start3A_14 = tpu.memref_squeeze %dma_start3A_13 : memref<1x16xf32, #tpu.memory_space<hbm>> -> memref<16xf32, #tpu.memory_space<hbm>>
        tpu.enqueue_dma source(%arg8 : memref<16xf32, #tpu.memory_space<vmem>>) target(%dma_start3A_14 : memref<16xf32, #tpu.memory_space<hbm>>) target_semaphore(%run_scoped3A_11 : memref<!tpu.dma_semaphore, #tpu.memory_space<semaphore_mem>>)
        %dma_wait3A = tpu.memref_slice %arg5[%run_scoped3A, %mul3A_4] : memref<1x128xf32, #tpu.memory_space<hbm>> -> memref<1x16xf32, #tpu.memory_space<hbm>>
        %dma_wait3A_15 = tpu.memref_squeeze %dma_wait3A : memref<1x16xf32, #tpu.memory_space<hbm>> -> memref<16xf32, #tpu.memory_space<hbm>>
        %dma_wait3A_16 = tpu.memref_slice %arg5[%run_scoped3A, %mul3A_4] : memref<1x128xf32, #tpu.memory_space<hbm>> -> memref<1x16xf32, #tpu.memory_space<hbm>>
        %dma_wait3A_17 = tpu.memref_squeeze %dma_wait3A_16 : memref<1x16xf32, #tpu.memory_space<hbm>> -> memref<16xf32, #tpu.memory_space<hbm>>
        tpu.wait_dma2 semaphore(%run_scoped3A_11 : memref<!tpu.dma_semaphore, #tpu.memory_space<semaphore_mem>>) src(%arg8 : memref<16xf32, #tpu.memory_space<vmem>>) dst(%dma_wait3A_17 : memref<16xf32, #tpu.memory_space<hbm>>)
        tpu.yield
      }) : () -> ()
      %run_scoped3A_10 = arith.constant 0 : i32
      "tpu.region"() ({
        %run_scoped3A_11 = tpu.sem_alloc : memref<!tpu.dma_semaphore, #tpu.memory_space<semaphore_mem>>
        %dma_start3A = tpu.memref_slice %arg6[%run_scoped3A_10, %mul3A_4] : memref<1x128xf32, #tpu.memory_space<hbm>> -> memref<1x16xf32, #tpu.memory_space<hbm>>
        %dma_start3A_12 = tpu.memref_squeeze %dma_start3A : memref<1x16xf32, #tpu.memory_space<hbm>> -> memref<16xf32, #tpu.memory_space<hbm>>
        %dma_start3A_13 = tpu.memref_slice %arg6[%run_scoped3A_10, %mul3A_4] : memref<1x128xf32, #tpu.memory_space<hbm>> -> memref<1x16xf32, #tpu.memory_space<hbm>>
        %dma_start3A_14 = tpu.memref_squeeze %dma_start3A_13 : memref<1x16xf32, #tpu.memory_space<hbm>> -> memref<16xf32, #tpu.memory_space<hbm>>
        tpu.enqueue_dma source(%arg9 : memref<16xf32, #tpu.memory_space<vmem>>) target(%dma_start3A_14 : memref<16xf32, #tpu.memory_space<hbm>>) target_semaphore(%run_scoped3A_11 : memref<!tpu.dma_semaphore, #tpu.memory_space<semaphore_mem>>)
        %dma_wait3A = tpu.memref_slice %arg6[%run_scoped3A_10, %mul3A_4] : memref<1x128xf32, #tpu.memory_space<hbm>> -> memref<1x16xf32, #tpu.memory_space<hbm>>
        %dma_wait3A_15 = tpu.memref_squeeze %dma_wait3A : memref<1x16xf32, #tpu.memory_space<hbm>> -> memref<16xf32, #tpu.memory_space<hbm>>
        %dma_wait3A_16 = tpu.memref_slice %arg6[%run_scoped3A_10, %mul3A_4] : memref<1x128xf32, #tpu.memory_space<hbm>> -> memref<1x16xf32, #tpu.memory_space<hbm>>
        %dma_wait3A_17 = tpu.memref_squeeze %dma_wait3A_16 : memref<1x16xf32, #tpu.memory_space<hbm>> -> memref<16xf32, #tpu.memory_space<hbm>>
        tpu.wait_dma2 semaphore(%run_scoped3A_11 : memref<!tpu.dma_semaphore, #tpu.memory_space<semaphore_mem>>) src(%arg9 : memref<16xf32, #tpu.memory_space<vmem>>) dst(%dma_wait3A_17 : memref<16xf32, #tpu.memory_space<hbm>>)
        tpu.yield
      }) : () -> ()
    } else {
    }
    return
  }
}

module attributes {stable_mosaic.version = 14 : i64} {
  func.func @_tc_body(%arg0: i32, %arg1: i32, %arg2: memref<1x128xf32, #tpu.memory_space<vmem>>, %arg3: memref<1x128xf32, #tpu.memory_space<vmem>>, %arg4: memref<1x28x224x128xf32, #tpu.memory_space<vmem>>, %arg5: memref<1x28x224x128xf32, #tpu.memory_space<vmem>>, %arg6: memref<1x28x224x128xf32, #tpu.memory_space<vmem>>) attributes {dimension_semantics = [#tpu.dimension_semantics<parallel>, #tpu.dimension_semantics<parallel>], iteration_bounds = array<i64: 3, 8>, scalar_prefetch = 0 : i64, scratch_operands = 0 : i64, tpu.core_type = #tpu.core_type<tc>, window_params = [{pipeline_mode = #tpu.pipeline_mode<synchronous>, transform_indices = @transform_0, window_bounds = array<i64: 1, 128>}, {pipeline_mode = #tpu.pipeline_mode<synchronous>, transform_indices = @transform_1, window_bounds = array<i64: 1, 128>}, {transform_indices = @transform_2, window_bounds = array<i64: 1, 28, 224, 128>}, {transform_indices = @transform_3, window_bounds = array<i64: 1, 28, 224, 128>}, {transform_indices = @transform_4, window_bounds = array<i64: 1, 28, 224, 128>}]} {
    %mul3A = arith.constant 50176 : i32
    %mul3A_0 = arith.muli %arg0, %mul3A : i32
    %mul3A_1 = arith.constant 6272 : i32
    %mul3A_2 = arith.muli %arg1, %mul3A_1 : i32
    %add3A = arith.addi %mul3A_0, %mul3A_2 : i32
    %iota3A = tpu.iota {dimensions = array<i32: 1>} : vector<1x28x224x128xi32>
    %iota3A_3 = tpu.iota {dimensions = array<i32: 2>} : vector<1x28x224x128xi32>
    %iota3A_4 = tpu.iota {dimensions = array<i32: 3>} : vector<1x28x224x128xi32>
    %mul3A_5 = arith.constant 224 : i32
    %mul3A_6 = vector.broadcast %mul3A_5 : i32 to vector<1x28x224x128xi32>
    %mul3A_7 = arith.muli %iota3A, %mul3A_6 : vector<1x28x224x128xi32>
    %add3A_8 = vector.broadcast %add3A : i32 to vector<1x28x224x128xi32>
    %add3A_9 = arith.addi %add3A_8, %mul3A_7 : vector<1x28x224x128xi32>
    %add3A_10 = arith.addi %add3A_9, %iota3A_3 : vector<1x28x224x128xi32>
    %mul3A_11 = arith.constant 150528 : i32
    %mul3A_12 = vector.broadcast %mul3A_11 : i32 to vector<1x28x224x128xi32>
    %mul3A_13 = arith.muli %iota3A_4, %mul3A_12 : vector<1x28x224x128xi32>
    %add3A_14 = arith.addi %add3A_10, %mul3A_13 : vector<1x28x224x128xi32>
    %add3A_15 = arith.constant 42 : i32
    %add3A_16 = vector.broadcast %add3A_15 : i32 to vector<1x28x224x128xi32>
    %add3A_17 = arith.addi %add3A_14, %add3A_16 : vector<1x28x224x128xi32>
    %shift_left3A = arith.constant 13 : i32
    %shift_left3A_18 = vector.broadcast %shift_left3A : i32 to vector<1x28x224x128xi32>
    %shift_left3A_19 = arith.shli %add3A_17, %shift_left3A_18 : vector<1x28x224x128xi32>
    %shift_right_logical3A = arith.constant 19 : i32
    %shift_right_logical3A_20 = vector.broadcast %shift_right_logical3A : i32 to vector<1x28x224x128xi32>
    %shift_right_logical3A_21 = arith.shrui %add3A_17, %shift_right_logical3A_20 : vector<1x28x224x128xi32>
    %or3A = arith.ori %shift_left3A_19, %shift_right_logical3A_21 : vector<1x28x224x128xi32>
    %xor3A = arith.xori %add3A_17, %or3A : vector<1x28x224x128xi32>
    %add3A_22 = arith.addi %add3A_17, %xor3A : vector<1x28x224x128xi32>
    %shift_left3A_23 = arith.constant 15 : i32
    %shift_left3A_24 = vector.broadcast %shift_left3A_23 : i32 to vector<1x28x224x128xi32>
    %shift_left3A_25 = arith.shli %xor3A, %shift_left3A_24 : vector<1x28x224x128xi32>
    %shift_right_logical3A_26 = arith.constant 17 : i32
    %shift_right_logical3A_27 = vector.broadcast %shift_right_logical3A_26 : i32 to vector<1x28x224x128xi32>
    %shift_right_logical3A_28 = arith.shrui %xor3A, %shift_right_logical3A_27 : vector<1x28x224x128xi32>
    %or3A_29 = arith.ori %shift_left3A_25, %shift_right_logical3A_28 : vector<1x28x224x128xi32>
    %xor3A_30 = arith.xori %add3A_22, %or3A_29 : vector<1x28x224x128xi32>
    %add3A_31 = arith.addi %add3A_22, %xor3A_30 : vector<1x28x224x128xi32>
    %shift_left3A_32 = arith.constant 26 : i32
    %shift_left3A_33 = vector.broadcast %shift_left3A_32 : i32 to vector<1x28x224x128xi32>
    %shift_left3A_34 = arith.shli %xor3A_30, %shift_left3A_33 : vector<1x28x224x128xi32>
    %shift_right_logical3A_35 = arith.constant 6 : i32
    %shift_right_logical3A_36 = vector.broadcast %shift_right_logical3A_35 : i32 to vector<1x28x224x128xi32>
    %shift_right_logical3A_37 = arith.shrui %xor3A_30, %shift_right_logical3A_36 : vector<1x28x224x128xi32>
    %or3A_38 = arith.ori %shift_left3A_34, %shift_right_logical3A_37 : vector<1x28x224x128xi32>
    %xor3A_39 = arith.xori %add3A_31, %or3A_38 : vector<1x28x224x128xi32>
    %add3A_40 = arith.addi %add3A_31, %xor3A_39 : vector<1x28x224x128xi32>
    %shift_left3A_41 = arith.constant 6 : i32
    %shift_left3A_42 = vector.broadcast %shift_left3A_41 : i32 to vector<1x28x224x128xi32>
    %shift_left3A_43 = arith.shli %xor3A_39, %shift_left3A_42 : vector<1x28x224x128xi32>
    %shift_right_logical3A_44 = arith.constant 26 : i32
    %shift_right_logical3A_45 = vector.broadcast %shift_right_logical3A_44 : i32 to vector<1x28x224x128xi32>
    %shift_right_logical3A_46 = arith.shrui %xor3A_39, %shift_right_logical3A_45 : vector<1x28x224x128xi32>
    %or3A_47 = arith.ori %shift_left3A_43, %shift_right_logical3A_46 : vector<1x28x224x128xi32>
    %xor3A_48 = arith.xori %add3A_40, %or3A_47 : vector<1x28x224x128xi32>
    %add3A_49 = arith.constant 42 : i32
    %add3A_50 = vector.broadcast %add3A_49 : i32 to vector<1x28x224x128xi32>
    %add3A_51 = arith.addi %add3A_40, %add3A_50 : vector<1x28x224x128xi32>
    %add3A_52 = arith.constant 466689009 : i32
    %add3A_53 = vector.broadcast %add3A_52 : i32 to vector<1x28x224x128xi32>
    %add3A_54 = arith.addi %xor3A_48, %add3A_53 : vector<1x28x224x128xi32>
    %add3A_55 = arith.addi %add3A_51, %add3A_54 : vector<1x28x224x128xi32>
    %shift_left3A_56 = arith.constant 17 : i32
    %shift_left3A_57 = vector.broadcast %shift_left3A_56 : i32 to vector<1x28x224x128xi32>
    %shift_left3A_58 = arith.shli %add3A_54, %shift_left3A_57 : vector<1x28x224x128xi32>
    %shift_right_logical3A_59 = arith.constant 15 : i32
    %shift_right_logical3A_60 = vector.broadcast %shift_right_logical3A_59 : i32 to vector<1x28x224x128xi32>
    %shift_right_logical3A_61 = arith.shrui %add3A_54, %shift_right_logical3A_60 : vector<1x28x224x128xi32>
    %or3A_62 = arith.ori %shift_left3A_58, %shift_right_logical3A_61 : vector<1x28x224x128xi32>
    %xor3A_63 = arith.xori %add3A_55, %or3A_62 : vector<1x28x224x128xi32>
    %add3A_64 = arith.addi %add3A_55, %xor3A_63 : vector<1x28x224x128xi32>
    %shift_left3A_65 = arith.constant 29 : i32
    %shift_left3A_66 = vector.broadcast %shift_left3A_65 : i32 to vector<1x28x224x128xi32>
    %shift_left3A_67 = arith.shli %xor3A_63, %shift_left3A_66 : vector<1x28x224x128xi32>
    %shift_right_logical3A_68 = arith.constant 3 : i32
    %shift_right_logical3A_69 = vector.broadcast %shift_right_logical3A_68 : i32 to vector<1x28x224x128xi32>
    %shift_right_logical3A_70 = arith.shrui %xor3A_63, %shift_right_logical3A_69 : vector<1x28x224x128xi32>
    %or3A_71 = arith.ori %shift_left3A_67, %shift_right_logical3A_70 : vector<1x28x224x128xi32>
    %xor3A_72 = arith.xori %add3A_64, %or3A_71 : vector<1x28x224x128xi32>
    %add3A_73 = arith.addi %add3A_64, %xor3A_72 : vector<1x28x224x128xi32>
    %shift_left3A_74 = arith.constant 16 : i32
    %shift_left3A_75 = vector.broadcast %shift_left3A_74 : i32 to vector<1x28x224x128xi32>
    %shift_left3A_76 = arith.shli %xor3A_72, %shift_left3A_75 : vector<1x28x224x128xi32>
    %shift_right_logical3A_77 = arith.constant 16 : i32
    %shift_right_logical3A_78 = vector.broadcast %shift_right_logical3A_77 : i32 to vector<1x28x224x128xi32>
    %shift_right_logical3A_79 = arith.shrui %xor3A_72, %shift_right_logical3A_78 : vector<1x28x224x128xi32>
    %or3A_80 = arith.ori %shift_left3A_76, %shift_right_logical3A_79 : vector<1x28x224x128xi32>
    %xor3A_81 = arith.xori %add3A_73, %or3A_80 : vector<1x28x224x128xi32>
    %add3A_82 = arith.addi %add3A_73, %xor3A_81 : vector<1x28x224x128xi32>
    %shift_left3A_83 = arith.constant 24 : i32
    %shift_left3A_84 = vector.broadcast %shift_left3A_83 : i32 to vector<1x28x224x128xi32>
    %shift_left3A_85 = arith.shli %xor3A_81, %shift_left3A_84 : vector<1x28x224x128xi32>
    %shift_right_logical3A_86 = arith.constant 8 : i32
    %shift_right_logical3A_87 = vector.broadcast %shift_right_logical3A_86 : i32 to vector<1x28x224x128xi32>
    %shift_right_logical3A_88 = arith.shrui %xor3A_81, %shift_right_logical3A_87 : vector<1x28x224x128xi32>
    %or3A_89 = arith.ori %shift_left3A_85, %shift_right_logical3A_88 : vector<1x28x224x128xi32>
    %xor3A_90 = arith.xori %add3A_82, %or3A_89 : vector<1x28x224x128xi32>
    %add3A_91 = arith.constant 466689008 : i32
    %add3A_92 = vector.broadcast %add3A_91 : i32 to vector<1x28x224x128xi32>
    %add3A_93 = arith.addi %add3A_82, %add3A_92 : vector<1x28x224x128xi32>
    %add3A_94 = arith.constant 2 : i32
    %add3A_95 = vector.broadcast %add3A_94 : i32 to vector<1x28x224x128xi32>
    %add3A_96 = arith.addi %xor3A_90, %add3A_95 : vector<1x28x224x128xi32>
    %add3A_97 = arith.addi %add3A_93, %add3A_96 : vector<1x28x224x128xi32>
    %shift_left3A_98 = arith.constant 13 : i32
    %shift_left3A_99 = vector.broadcast %shift_left3A_98 : i32 to vector<1x28x224x128xi32>
    %shift_left3A_100 = arith.shli %add3A_96, %shift_left3A_99 : vector<1x28x224x128xi32>
    %shift_right_logical3A_101 = arith.constant 19 : i32
    %shift_right_logical3A_102 = vector.broadcast %shift_right_logical3A_101 : i32 to vector<1x28x224x128xi32>
    %shift_right_logical3A_103 = arith.shrui %add3A_96, %shift_right_logical3A_102 : vector<1x28x224x128xi32>
    %or3A_104 = arith.ori %shift_left3A_100, %shift_right_logical3A_103 : vector<1x28x224x128xi32>
    %xor3A_105 = arith.xori %add3A_97, %or3A_104 : vector<1x28x224x128xi32>
    %add3A_106 = arith.addi %add3A_97, %xor3A_105 : vector<1x28x224x128xi32>
    %shift_left3A_107 = arith.constant 15 : i32
    %shift_left3A_108 = vector.broadcast %shift_left3A_107 : i32 to vector<1x28x224x128xi32>
    %shift_left3A_109 = arith.shli %xor3A_105, %shift_left3A_108 : vector<1x28x224x128xi32>
    %shift_right_logical3A_110 = arith.constant 17 : i32
    %shift_right_logical3A_111 = vector.broadcast %shift_right_logical3A_110 : i32 to vector<1x28x224x128xi32>
    %shift_right_logical3A_112 = arith.shrui %xor3A_105, %shift_right_logical3A_111 : vector<1x28x224x128xi32>
    %or3A_113 = arith.ori %shift_left3A_109, %shift_right_logical3A_112 : vector<1x28x224x128xi32>
    %xor3A_114 = arith.xori %add3A_106, %or3A_113 : vector<1x28x224x128xi32>
    %add3A_115 = arith.addi %add3A_106, %xor3A_114 : vector<1x28x224x128xi32>
    %shift_left3A_116 = arith.constant 26 : i32
    %shift_left3A_117 = vector.broadcast %shift_left3A_116 : i32 to vector<1x28x224x128xi32>
    %shift_left3A_118 = arith.shli %xor3A_114, %shift_left3A_117 : vector<1x28x224x128xi32>
    %shift_right_logical3A_119 = arith.constant 6 : i32
    %shift_right_logical3A_120 = vector.broadcast %shift_right_logical3A_119 : i32 to vector<1x28x224x128xi32>
    %shift_right_logical3A_121 = arith.shrui %xor3A_114, %shift_right_logical3A_120 : vector<1x28x224x128xi32>
    %or3A_122 = arith.ori %shift_left3A_118, %shift_right_logical3A_121 : vector<1x28x224x128xi32>
    %xor3A_123 = arith.xori %add3A_115, %or3A_122 : vector<1x28x224x128xi32>
    %add3A_124 = arith.addi %add3A_115, %xor3A_123 : vector<1x28x224x128xi32>
    %shift_left3A_125 = arith.constant 6 : i32
    %shift_left3A_126 = vector.broadcast %shift_left3A_125 : i32 to vector<1x28x224x128xi32>
    %shift_left3A_127 = arith.shli %xor3A_123, %shift_left3A_126 : vector<1x28x224x128xi32>
    %shift_right_logical3A_128 = arith.constant 26 : i32
    %shift_right_logical3A_129 = vector.broadcast %shift_right_logical3A_128 : i32 to vector<1x28x224x128xi32>
    %shift_right_logical3A_130 = arith.shrui %xor3A_123, %shift_right_logical3A_129 : vector<1x28x224x128xi32>
    %or3A_131 = arith.ori %shift_left3A_127, %shift_right_logical3A_130 : vector<1x28x224x128xi32>
    %xor3A_132 = arith.xori %add3A_124, %or3A_131 : vector<1x28x224x128xi32>
    %add3A_133 = arith.constant 45 : i32
    %add3A_134 = vector.broadcast %add3A_133 : i32 to vector<1x28x224x128xi32>
    %add3A_135 = arith.addi %xor3A_132, %add3A_134 : vector<1x28x224x128xi32>
    %add3A_136 = arith.addi %add3A_124, %add3A_135 : vector<1x28x224x128xi32>
    %shift_left3A_137 = arith.constant 17 : i32
    %shift_left3A_138 = vector.broadcast %shift_left3A_137 : i32 to vector<1x28x224x128xi32>
    %shift_left3A_139 = arith.shli %add3A_135, %shift_left3A_138 : vector<1x28x224x128xi32>
    %shift_right_logical3A_140 = arith.constant 15 : i32
    %shift_right_logical3A_141 = vector.broadcast %shift_right_logical3A_140 : i32 to vector<1x28x224x128xi32>
    %shift_right_logical3A_142 = arith.shrui %add3A_135, %shift_right_logical3A_141 : vector<1x28x224x128xi32>
    %or3A_143 = arith.ori %shift_left3A_139, %shift_right_logical3A_142 : vector<1x28x224x128xi32>
    %xor3A_144 = arith.xori %add3A_136, %or3A_143 : vector<1x28x224x128xi32>
    %add3A_145 = arith.addi %add3A_136, %xor3A_144 : vector<1x28x224x128xi32>
    %shift_left3A_146 = arith.constant 29 : i32
    %shift_left3A_147 = vector.broadcast %shift_left3A_146 : i32 to vector<1x28x224x128xi32>
    %shift_left3A_148 = arith.shli %xor3A_144, %shift_left3A_147 : vector<1x28x224x128xi32>
    %shift_right_logical3A_149 = arith.constant 3 : i32
    %shift_right_logical3A_150 = vector.broadcast %shift_right_logical3A_149 : i32 to vector<1x28x224x128xi32>
    %shift_right_logical3A_151 = arith.shrui %xor3A_144, %shift_right_logical3A_150 : vector<1x28x224x128xi32>
    %or3A_152 = arith.ori %shift_left3A_148, %shift_right_logical3A_151 : vector<1x28x224x128xi32>
    %xor3A_153 = arith.xori %add3A_145, %or3A_152 : vector<1x28x224x128xi32>
    %add3A_154 = arith.addi %add3A_145, %xor3A_153 : vector<1x28x224x128xi32>
    %shift_left3A_155 = arith.constant 16 : i32
    %shift_left3A_156 = vector.broadcast %shift_left3A_155 : i32 to vector<1x28x224x128xi32>
    %shift_left3A_157 = arith.shli %xor3A_153, %shift_left3A_156 : vector<1x28x224x128xi32>
    %shift_right_logical3A_158 = arith.constant 16 : i32
    %shift_right_logical3A_159 = vector.broadcast %shift_right_logical3A_158 : i32 to vector<1x28x224x128xi32>
    %shift_right_logical3A_160 = arith.shrui %xor3A_153, %shift_right_logical3A_159 : vector<1x28x224x128xi32>
    %or3A_161 = arith.ori %shift_left3A_157, %shift_right_logical3A_160 : vector<1x28x224x128xi32>
    %xor3A_162 = arith.xori %add3A_154, %or3A_161 : vector<1x28x224x128xi32>
    %add3A_163 = arith.addi %add3A_154, %xor3A_162 : vector<1x28x224x128xi32>
    %shift_left3A_164 = arith.constant 24 : i32
    %shift_left3A_165 = vector.broadcast %shift_left3A_164 : i32 to vector<1x28x224x128xi32>
    %shift_left3A_166 = arith.shli %xor3A_162, %shift_left3A_165 : vector<1x28x224x128xi32>
    %shift_right_logical3A_167 = arith.constant 8 : i32
    %shift_right_logical3A_168 = vector.broadcast %shift_right_logical3A_167 : i32 to vector<1x28x224x128xi32>
    %shift_right_logical3A_169 = arith.shrui %xor3A_162, %shift_right_logical3A_168 : vector<1x28x224x128xi32>
    %or3A_170 = arith.ori %shift_left3A_166, %shift_right_logical3A_169 : vector<1x28x224x128xi32>
    %xor3A_171 = arith.xori %add3A_163, %or3A_170 : vector<1x28x224x128xi32>
    %add3A_172 = arith.constant 42 : i32
    %add3A_173 = vector.broadcast %add3A_172 : i32 to vector<1x28x224x128xi32>
    %add3A_174 = arith.addi %add3A_163, %add3A_173 : vector<1x28x224x128xi32>
    %add3A_175 = arith.constant 466689012 : i32
    %add3A_176 = vector.broadcast %add3A_175 : i32 to vector<1x28x224x128xi32>
    %add3A_177 = arith.addi %xor3A_171, %add3A_176 : vector<1x28x224x128xi32>
    %add3A_178 = arith.addi %add3A_174, %add3A_177 : vector<1x28x224x128xi32>
    %shift_left3A_179 = arith.constant 13 : i32
    %shift_left3A_180 = vector.broadcast %shift_left3A_179 : i32 to vector<1x28x224x128xi32>
    %shift_left3A_181 = arith.shli %add3A_177, %shift_left3A_180 : vector<1x28x224x128xi32>
    %shift_right_logical3A_182 = arith.constant 19 : i32
    %shift_right_logical3A_183 = vector.broadcast %shift_right_logical3A_182 : i32 to vector<1x28x224x128xi32>
    %shift_right_logical3A_184 = arith.shrui %add3A_177, %shift_right_logical3A_183 : vector<1x28x224x128xi32>
    %or3A_185 = arith.ori %shift_left3A_181, %shift_right_logical3A_184 : vector<1x28x224x128xi32>
    %xor3A_186 = arith.xori %add3A_178, %or3A_185 : vector<1x28x224x128xi32>
    %add3A_187 = arith.addi %add3A_178, %xor3A_186 : vector<1x28x224x128xi32>
    %shift_left3A_188 = arith.constant 15 : i32
    %shift_left3A_189 = vector.broadcast %shift_left3A_188 : i32 to vector<1x28x224x128xi32>
    %shift_left3A_190 = arith.shli %xor3A_186, %shift_left3A_189 : vector<1x28x224x128xi32>
    %shift_right_logical3A_191 = arith.constant 17 : i32
    %shift_right_logical3A_192 = vector.broadcast %shift_right_logical3A_191 : i32 to vector<1x28x224x128xi32>
    %shift_right_logical3A_193 = arith.shrui %xor3A_186, %shift_right_logical3A_192 : vector<1x28x224x128xi32>
    %or3A_194 = arith.ori %shift_left3A_190, %shift_right_logical3A_193 : vector<1x28x224x128xi32>
    %xor3A_195 = arith.xori %add3A_187, %or3A_194 : vector<1x28x224x128xi32>
    %add3A_196 = arith.addi %add3A_187, %xor3A_195 : vector<1x28x224x128xi32>
    %shift_left3A_197 = arith.constant 26 : i32
    %shift_left3A_198 = vector.broadcast %shift_left3A_197 : i32 to vector<1x28x224x128xi32>
    %shift_left3A_199 = arith.shli %xor3A_195, %shift_left3A_198 : vector<1x28x224x128xi32>
    %shift_right_logical3A_200 = arith.constant 6 : i32
    %shift_right_logical3A_201 = vector.broadcast %shift_right_logical3A_200 : i32 to vector<1x28x224x128xi32>
    %shift_right_logical3A_202 = arith.shrui %xor3A_195, %shift_right_logical3A_201 : vector<1x28x224x128xi32>
    %or3A_203 = arith.ori %shift_left3A_199, %shift_right_logical3A_202 : vector<1x28x224x128xi32>
    %xor3A_204 = arith.xori %add3A_196, %or3A_203 : vector<1x28x224x128xi32>
    %add3A_205 = arith.addi %add3A_196, %xor3A_204 : vector<1x28x224x128xi32>
    %shift_left3A_206 = arith.constant 6 : i32
    %shift_left3A_207 = vector.broadcast %shift_left3A_206 : i32 to vector<1x28x224x128xi32>
    %shift_left3A_208 = arith.shli %xor3A_204, %shift_left3A_207 : vector<1x28x224x128xi32>
    %shift_right_logical3A_209 = arith.constant 26 : i32
    %shift_right_logical3A_210 = vector.broadcast %shift_right_logical3A_209 : i32 to vector<1x28x224x128xi32>
    %shift_right_logical3A_211 = arith.shrui %xor3A_204, %shift_right_logical3A_210 : vector<1x28x224x128xi32>
    %or3A_212 = arith.ori %shift_left3A_208, %shift_right_logical3A_211 : vector<1x28x224x128xi32>
    %xor3A_213 = arith.xori %add3A_205, %or3A_212 : vector<1x28x224x128xi32>
    %add3A_214 = arith.constant 466689008 : i32
    %add3A_215 = vector.broadcast %add3A_214 : i32 to vector<1x28x224x128xi32>
    %add3A_216 = arith.addi %add3A_205, %add3A_215 : vector<1x28x224x128xi32>
    %add3A_217 = arith.constant 5 : i32
    %add3A_218 = vector.broadcast %add3A_217 : i32 to vector<1x28x224x128xi32>
    %add3A_219 = arith.addi %xor3A_213, %add3A_218 : vector<1x28x224x128xi32>
    %xor3A_220 = arith.xori %add3A_216, %add3A_219 : vector<1x28x224x128xi32>
    %shift_right_logical3A_221 = arith.constant 9 : i32
    %shift_right_logical3A_222 = vector.broadcast %shift_right_logical3A_221 : i32 to vector<1x28x224x128xi32>
    %shift_right_logical3A_223 = arith.shrui %xor3A_220, %shift_right_logical3A_222 : vector<1x28x224x128xi32>
    %convert_element_type3A = arith.uitofp %shift_right_logical3A_223 : vector<1x28x224x128xi32> to vector<1x28x224x128xf32>
    %mul3A_224 = arith.constant 2.38418579E-7 : f32
    %mul3A_225 = vector.broadcast %mul3A_224 : f32 to vector<1x28x224x128xf32>
    %mul3A_226 = arith.mulf %convert_element_type3A, %mul3A_225 : vector<1x28x224x128xf32>
    %add3A_227 = arith.constant -0.99999994 : f32
    %add3A_228 = vector.broadcast %add3A_227 : f32 to vector<1x28x224x128xf32>
    %add3A_229 = arith.addf %mul3A_226, %add3A_228 : vector<1x28x224x128xf32>
    %neg3A = arith.constant 0.000000e+00 : f32
    %neg3A_230 = vector.broadcast %neg3A : f32 to vector<1x28x224x128xf32>
    %neg3A_231 = arith.subf %neg3A_230, %add3A_229 : vector<1x28x224x128xf32>
    %mul3A_232 = arith.mulf %neg3A_231, %add3A_229 : vector<1x28x224x128xf32>
    %log1p3A = math.log1p %mul3A_232 : vector<1x28x224x128xf32>
    %neg3A_233 = arith.constant 0.000000e+00 : f32
    %neg3A_234 = vector.broadcast %neg3A_233 : f32 to vector<1x28x224x128xf32>
    %neg3A_235 = arith.subf %neg3A_234, %log1p3A : vector<1x28x224x128xf32>
    %lt3A = arith.constant 5.000000e+00 : f32
    %lt3A_236 = vector.broadcast %lt3A : f32 to vector<1x28x224x128xf32>
    %lt3A_237 = arith.cmpf olt, %neg3A_235, %lt3A_236 : vector<1x28x224x128xf32>
    %sub3A = arith.constant 2.500000e+00 : f32
    %sub3A_238 = vector.broadcast %sub3A : f32 to vector<1x28x224x128xf32>
    %sub3A_239 = arith.subf %neg3A_235, %sub3A_238 : vector<1x28x224x128xf32>
    %broadcast_in_dim3A = arith.constant 3.09120223E-4 : f32
    %broadcast_in_dim3A_240 = vector.broadcast %broadcast_in_dim3A : f32 to vector<1x28x224x128xf32>
    %mul3A_241 = arith.mulf %broadcast_in_dim3A_240, %sub3A_239 : vector<1x28x224x128xf32>
    %add3A_242 = arith.constant -0.00177303492 : f32
    %add3A_243 = vector.broadcast %add3A_242 : f32 to vector<1x28x224x128xf32>
    %add3A_244 = arith.addf %add3A_243, %mul3A_241 : vector<1x28x224x128xf32>
    %mul3A_245 = arith.mulf %add3A_244, %sub3A_239 : vector<1x28x224x128xf32>
    %add3A_246 = arith.constant -0.00590813393 : f32
    %add3A_247 = vector.broadcast %add3A_246 : f32 to vector<1x28x224x128xf32>
    %add3A_248 = arith.addf %add3A_247, %mul3A_245 : vector<1x28x224x128xf32>
    %mul3A_249 = arith.mulf %add3A_248, %sub3A_239 : vector<1x28x224x128xf32>
    %add3A_250 = arith.constant 0.348802656 : f32
    %add3A_251 = vector.broadcast %add3A_250 : f32 to vector<1x28x224x128xf32>
    %add3A_252 = arith.addf %add3A_251, %mul3A_249 : vector<1x28x224x128xf32>
    %mul3A_253 = arith.mulf %add3A_252, %sub3A_239 : vector<1x28x224x128xf32>
    %add3A_254 = arith.constant 2.12331367 : f32
    %add3A_255 = vector.broadcast %add3A_254 : f32 to vector<1x28x224x128xf32>
    %add3A_256 = arith.addf %add3A_255, %mul3A_253 : vector<1x28x224x128xf32>
    %sqrt3A = math.sqrt %neg3A_235 : vector<1x28x224x128xf32>
    %sub3A_257 = arith.constant 3.000000e+00 : f32
    %sub3A_258 = vector.broadcast %sub3A_257 : f32 to vector<1x28x224x128xf32>
    %sub3A_259 = arith.subf %sqrt3A, %sub3A_258 : vector<1x28x224x128xf32>
    %broadcast_in_dim3A_260 = arith.constant 0.0133485785 : f32
    %broadcast_in_dim3A_261 = vector.broadcast %broadcast_in_dim3A_260 : f32 to vector<1x28x224x128xf32>
    %mul3A_262 = arith.mulf %broadcast_in_dim3A_261, %sub3A_259 : vector<1x28x224x128xf32>
    %add3A_263 = arith.constant 1.41658103 : f32
    %add3A_264 = vector.broadcast %add3A_263 : f32 to vector<1x28x224x128xf32>
    %add3A_265 = arith.addf %add3A_264, %mul3A_262 : vector<1x28x224x128xf32>
    %mul3A_266 = arith.mulf %add3A_265, %sub3A_259 : vector<1x28x224x128xf32>
    %add3A_267 = arith.constant 4.00643444 : f32
    %add3A_268 = vector.broadcast %add3A_267 : f32 to vector<1x28x224x128xf32>
    %add3A_269 = arith.addf %add3A_268, %mul3A_266 : vector<1x28x224x128xf32>
    %select_n3A = arith.select %lt3A_237, %add3A_256, %add3A_269 : vector<1x28x224x128xi1>, vector<1x28x224x128xf32>
    %mul3A_270 = arith.mulf %select_n3A, %add3A_229 : vector<1x28x224x128xf32>
    %swap3A = arith.constant 0 : index
    %swap3A_271 = arith.constant 0 : index
    %swap3A_272 = arith.constant 0 : index
    %swap3A_273 = arith.constant 0 : index
    %swap3A_274 = vector.load %arg6[%swap3A, %swap3A_271, %swap3A_272, %swap3A_273] : memref<1x28x224x128xf32, #tpu.memory_space<vmem>>, vector<1x28x224x128xf32>
    tpu.vector_store %arg6[%swap3A, %swap3A_271, %swap3A_272, %swap3A_273], %mul3A_270 {strides = array<i32>} : memref<1x28x224x128xf32, #tpu.memory_space<vmem>>, vector<1x28x224x128xf32>,
    %get3A = arith.constant 0 : index
    %get3A_275 = arith.constant 0 : index
    %get3A_276 = vector.load %arg2[%get3A, %get3A_275] : memref<1x128xf32, #tpu.memory_space<vmem>>, vector<1x128xf32>
    %reshape3A = vector.shape_cast %get3A_276 : vector<1x128xf32> to vector<1x1x1x128xf32>
    %get3A_277 = arith.constant 0 : index
    %get3A_278 = arith.constant 0 : index
    %get3A_279 = vector.load %arg3[%get3A_277, %get3A_278] : memref<1x128xf32, #tpu.memory_space<vmem>>, vector<1x128xf32>
    %reshape3A_280 = vector.shape_cast %get3A_279 : vector<1x128xf32> to vector<1x1x1x128xf32>
    %get3A_281 = arith.constant 0 : index
    %get3A_282 = arith.constant 0 : index
    %get3A_283 = arith.constant 0 : index
    %get3A_284 = arith.constant 0 : index
    %get3A_285 = vector.load %arg4[%get3A_281, %get3A_282, %get3A_283, %get3A_284] : memref<1x28x224x128xf32, #tpu.memory_space<vmem>>, vector<1x28x224x128xf32>
    %mul3A_286 = vector.broadcast %reshape3A : vector<1x1x1x128xf32> to vector<1x28x224x128xf32>
    %mul3A_287 = arith.mulf %mul3A_286, %get3A_285 : vector<1x28x224x128xf32>
    %mul3A_288 = vector.broadcast %reshape3A_280 : vector<1x1x1x128xf32> to vector<1x28x224x128xf32>
    %mul3A_289 = arith.mulf %mul3A_288, %mul3A_270 : vector<1x28x224x128xf32>
    %add3A_290 = arith.addf %mul3A_287, %mul3A_289 : vector<1x28x224x128xf32>
    %swap3A_291 = arith.constant 0 : index
    %swap3A_292 = arith.constant 0 : index
    %swap3A_293 = arith.constant 0 : index
    %swap3A_294 = arith.constant 0 : index
    %swap3A_295 = vector.load %arg5[%swap3A_291, %swap3A_292, %swap3A_293, %swap3A_294] : memref<1x28x224x128xf32, #tpu.memory_space<vmem>>, vector<1x28x224x128xf32>
    tpu.vector_store %arg5[%swap3A_291, %swap3A_292, %swap3A_293, %swap3A_294], %add3A_290 {strides = array<i32>} : memref<1x28x224x128xf32, #tpu.memory_space<vmem>>, vector<1x28x224x128xf32>,
    return
  }
  func.func @transform_0(%arg0: i32, %arg1: i32) -> (i32, i32) {
    %c0_i32 = arith.constant 0 : i32
    %c0_i32_0 = arith.constant 0 : i32
    %c0_i32_1 = arith.constant 0 : i32
    return %c0_i32, %c0_i32_0 : i32, i32
  }
  func.func @transform_1(%arg0: i32, %arg1: i32) -> (i32, i32) {
    %c0_i32 = arith.constant 0 : i32
    %c0_i32_0 = arith.constant 0 : i32
    %c0_i32_1 = arith.constant 0 : i32
    return %c0_i32, %c0_i32_0 : i32, i32
  }
  func.func @transform_2(%arg0: i32, %arg1: i32) -> (i32, i32, i32, i32) {
    %c0_i32 = arith.constant 0 : i32
    %c0_i32_0 = arith.constant 0 : i32
    %c0_i32_1 = arith.constant 0 : i32
    return %arg0, %arg1, %c0_i32, %c0_i32_0 : i32, i32, i32, i32
  }
  func.func @transform_3(%arg0: i32, %arg1: i32) -> (i32, i32, i32, i32) {
    %c0_i32 = arith.constant 0 : i32
    %c0_i32_0 = arith.constant 0 : i32
    %c0_i32_1 = arith.constant 0 : i32
    return %arg0, %arg1, %c0_i32, %c0_i32_0 : i32, i32, i32, i32
  }
  func.func @transform_4(%arg0: i32, %arg1: i32) -> (i32, i32, i32, i32) {
    %c0_i32 = arith.constant 0 : i32
    %c0_i32_0 = arith.constant 0 : i32
    %c0_i32_1 = arith.constant 0 : i32
    return %arg0, %arg1, %c0_i32, %c0_i32_0 : i32, i32, i32, i32
  }
}

</mosaic_0001>

<sc_bundles>
// kernel: kernel.4.cloned.1.call-start
scs
__scs_entry_jumppad:
0x0: {  	(pc) =	sbr.rel $0x88, $3  }
0x1: {  	(tag) =	ssettag $0x0;
	lr =	simm.s32 $0x1  }
0x2: {  	[smem:$0x3F9D] =	sst lr;
	_ =	strace $0xD0000000  }
0x3: {  	_ = 	snop  }
0x4: {  	_ = 	snop  }
0x5: {  	_ = 	snop  }
0x6: {  	_ = 	snop  }
0x7: {  	_ = 	snop  }
__scs_overlays_trampoline_lowered:
0x8: {  	[smem:$0x3FAC] =	sst s0  }
0x9: {  	[smem:$0x3FAD] =	sst s1  }
0xa: {  	[smem:$0x3FAE] =	sst s2  }
0xb: {  	[smem:$0x3FAF] =	sst s3  }
0xc: {  	[smem:$0x3FB0] =	sst s4  }
0xd: {  	[smem:$0x3FB1] =	sst s5  }
0xe: {  	[smem:$0x3FB2] =	sst s6  }
0xf: {  	[smem:$0x3FB3] =	sst s7  }
0x10: {  	[smem:$0x3FB4] =	sst s8  }
0x11: {  	[smem:$0x3FB5] =	sst s9;
	s0 =	simm.s32 @!p0 $0x0  }
0x12: {  	s1 =	sld [smem:$0x3F9B];
	s0 =	simm.s32 @p0 $0x1  }
0x13: {  	[smem:$0x3FB6] =	sst s0;
	s0 =	simm.s32 @!p1 $0x0  }
0x14: {  	s2 =	sld [smem:$0x3F9A];
	s0 =	simm.s32 @p1 $0x1  }
0x15: {  	[smem:$0x3FB7] =	sst s0;
	s0 =	simm.s32 @!p2 $0x0  }
0x16: {  	s3 =	sld [smem:$0x3FDB];
	s0 =	simm.s32 @p2 $0x1  }
0x17: {  	s4 =	simm.s32 $0x1BF5;
	[smem:$0x3FB9] =	sst s0  }
0x18: {  	s0 =	sld [smem:$0x3F9C];
	_ =	swait.ge [sflag:s4], $0x0  }
0x19: {  	s7 =	sld [smem:$0x3F9D]  }
0x1a: {  	s8 =	sadd.s32 $0xFFFFE003, lr  }
0x1b: {  	s9 =	sadd.s32 $0xFFFFFEF7, lr;
	s5 =	simm.s32 $0xFFFFFFFF;
	p2 =	slt.u32 s8, $0xFFFFF086  }
0x1c: {  	p1 =	slt.u32 s9, $0xF7A;
	s5 =	simm.s32 @!p2 $0x0  }
0x1d: {  	s5 =	simm.s32 @p1 $0x1;
	p0 =	seq.s32 s7, s2  }
0x1e: {  	s7 =	smul.u32 @!p0 $0xF7A, s2;
	p2 =	seq.s32 @!p0 s5, $0x0  }
0x1f: {  	s9 =	smul.u32 $0xF7A, s1;
	s8 =	simm.s32 @!p0 $0x1BF5;
	p2 =	por !p2, p0  }
0x20: {  	[sflag:s8] =	ssyncset.s32 @!p0 $0xFFFFF086;
	s6 =	sadd.s32 @!p0 s3, s7;
	s7 =	simm.s32 @!p0 $0x108  }
0x21: {  	s3 =	sadd.s32 s3, s9;
	s6 =	sadd.s32 @!p0 $0x88, s6;
	s7 =	simm.s32 @p2 $0x1082  }
0x22: {  	[simem:s7], [sflag:s8] =	dma.local @!p0 [hbm:s6], $0xF7A  }
0x23: {  	s9 =	sor.u32 $0xD0000000, s2;
	s6 =	simm.s32 $0x108;
	_ =	swait.ge @!p0 [sflag:s8], $0x0  }
0x24: {  	s3 =	sadd.s32 $0x88, s3;
	s6 =	simm.s32 @!p1 $0x1082;
	[sflag:s4] =	ssyncset.s32 $0xFFFFF086  }
0x25: {  	[simem:s6], [sflag:s4] =	dma.local [hbm:s3], $0xF7A  }
0x26: {  	[smem:$0x3F9D] =	sst s1;
	(tag) =	ssettag s2;
	_ =	strace s9  }
0x27: {  	s1 =	sld [smem:$0x3FAD]  }
0x28: {  	s2 =	sld [smem:$0x3FAE]  }
0x29: {  	s4 =	sld [smem:$0x3FB0]  }
0x2a: {  	p0 =	seq.s32 s5, $0x0;
	s5 =	sld [smem:$0x3FB1]  }
0x2b: {  	s6 =	sld [smem:$0x3FB2]  }
0x2c: {  	s7 =	sld [smem:$0x3FB3]  }
0x2d: {  	s3 =	simm.s32 $0x108;
	s8 =	sld [smem:$0x3FB4]  }
0x2e: {  	s3 =	simm.s32 @!p0 $0x1082;
	s9 =	sld [smem:$0x3FB5]  }
0x2f: {  	lr =	sadd.s32 s0, s3;
	s0 =	sld [smem:$0x3FAC]  }
0x30: {  	s3 =	sld [smem:$0x3FAF]  }
0x31: {  	[smem:$0x3FB8] =	sst s10  }
0x32: {  	s10 =	sld [smem:$0x3FB6];
	_ =	sdelay $0x3  }
0x33: {  	p0 =	seq.s32 s10, $0x1;
	s10 =	sld [smem:$0x3FB8];
	_ =	sdelay $0x3  }
0x34: {  	[smem:$0x3FB8] =	sst s10  }
0x35: {  	s10 =	sld [smem:$0x3FB7];
	_ =	sdelay $0x3  }
0x36: {  	p1 =	seq.s32 s10, $0x1;
	s10 =	sld [smem:$0x3FB8];
	_ =	sdelay $0x3  }
0x37: {  	[smem:$0x3FB8] =	sst s10  }
0x38: {  	s10 =	sld [smem:$0x3FB9]  }
0x39: {  	_ = 	snop;
	(pc) =	sbr.ind lr, $3  }
0x3a: {  	_ = 	snop  }
0x3b: {  	_ = 	snop  }
0x3c: {  	p2 =	seq.s32 s10, $0x1;
	s10 =	sld [smem:$0x3FB8]  }
0x3d: {  	_ =	shalt  }
0x3e: {  	_ =	shalt  }
0x3f: {  	_ =	shalt  }
0x40: {  	_ =	shalt  }
0x41: {  	_ =	shalt  }
0x42: {  	_ =	shalt  }
0x43: {  	_ =	shalt  }
0x44: {  	_ =	shalt  }
0x45: {  	_ =	shalt  }
0x46: {  	_ =	shalt  }
0x47: {  	_ =	shalt  }
0x48: {  	_ =	shalt  }
0x49: {  	_ =	shalt  }
0x4a: {  	_ =	shalt  }
0x4b: {  	_ =	shalt  }
0x4c: {  	_ =	shalt  }
0x4d: {  	_ =	shalt  }
0x4e: {  	_ =	shalt  }
0x4f: {  	_ =	shalt  }
0x50: {  	_ =	shalt  }
0x51: {  	_ =	shalt  }
0x52: {  	_ =	shalt  }
0x53: {  	_ =	shalt  }
0x54: {  	_ =	shalt  }
0x55: {  	_ =	shalt  }
0x56: {  	_ =	shalt  }
0x57: {  	_ =	shalt  }
0x58: {  	_ =	shalt  }
0x59: {  	_ =	shalt  }
0x5a: {  	_ =	shalt  }
0x5b: {  	_ =	shalt  }
0x5c: {  	_ =	shalt  }
0x5d: {  	_ =	shalt  }
0x5e: {  	_ =	shalt  }
0x5f: {  	_ =	shalt  }
0x60: {  	_ =	shalt  }
0x61: {  	_ =	shalt  }
0x62: {  	_ =	shalt  }
0x63: {  	_ =	shalt  }
0x64: {  	_ =	shalt  }
0x65: {  	_ =	shalt  }
0x66: {  	_ =	shalt  }
0x67: {  	_ =	shalt  }
0x68: {  	_ =	shalt  }
0x69: {  	_ =	shalt  }
0x6a: {  	_ =	shalt  }
0x6b: {  	_ =	shalt  }
0x6c: {  	_ =	shalt  }
0x6d: {  	_ =	shalt  }
0x6e: {  	_ =	shalt  }
0x6f: {  	_ =	shalt  }
0x70: {  	_ =	shalt  }
0x71: {  	_ =	shalt  }
0x72: {  	_ =	shalt  }
0x73: {  	_ =	shalt  }
0x74: {  	_ =	shalt  }
0x75: {  	_ =	shalt  }
0x76: {  	_ =	shalt  }
0x77: {  	_ =	shalt  }
0x78: {  	_ =	shalt  }
0x79: {  	_ =	shalt  }
0x7a: {  	_ =	shalt  }
0x7b: {  	_ =	shalt  }
0x7c: {  	_ =	shalt  }
0x7d: {  	_ =	shalt  }
0x7e: {  	_ =	shalt  }
0x7f: {  	_ =	shalt  }
0x80: {  	_ =	shalt  }
0x81: {  	_ =	shalt  }
0x82: {  	_ =	shalt  }
0x83: {  	_ =	shalt  }
0x84: {  	_ =	shalt  }
0x85: {  	_ =	shalt  }
0x86: {  	_ =	shalt  }
0x87: {  	_ =	shalt  }
.Lfunc_end0:
.L_simem_size_0:
called_computation_lowered:
.L_overlay_start_0:
0x88: {  	s2 =	sld [smem:$0x3FD9]  }
0x89: {  	s3 =	sld [smem:$0x3FFE];
	_ =	sdelay $0x1  }
0x8a: {  	s1 =	srdreg.scid  }
0x8b: {  	s0 =	sand.u32 $0x1, s1  }
0x8c: {  	s15 =	sshll.u32 s0, $0xA;
	s2 =	sadd.s32 s3, s2  }
0x8d: {  	s2 =	sadd.s32 s2, s15  }
0x8e: {  	[smem:$0x3FC4] =	sst s2  }
0x8f: {  	_ = 	snop  }
0x90: {  	s2 =	sld [smem:$0x3FD0]  }
0x91: {  	s16 =	sld [smem:$0x3FC8]  }
0x92: {  	s4 =	sld [smem:$0x3FC7]  }
0x93: {  	s6 =	simm.s32 $0xA;
	s7 =	simm.s32 $0x10;
	s5 =	sld [smem:$0x3FC6]  }
0x94: {  	[smem:s7], [sflag:s6] =	dma.local [hbm:s2], $0x1  }
0x95: {  	_ =	swait.eq [sflag:s6], $0x1  }
0x96: {  	[sflag:s6] =	ssyncset.done $0x0  }
0x97: {  	s17 =	sld [smem:$0x10];
	[sflag:s6] =	ssyncadd.s32 $0xFFFFFFFF  }
0x98: {  	s18 =	sld [smem:$0x11];
	(tm) =	ssettm $0x1  }
0x99: {  	s19 =	sld [smem:$0x3FFB];
	_ =	sdelay $0x3  }
0x9a: {  	_ =	strace s19  }
0x9b: {  	s7 =	sld [smem:$0x3FFC];
	_ =	sdelay $0x3  }
0x9c: {  	_ =	strace s7  }
0x9d: {  	s7 =	sld [smem:$0x3FFD];
	_ =	sdelay $0x3  }
0x9e: {  	_ =	strace s7  }
0x9f: {  	_ =	strace $0x8FFFFFFF  }
0xa0: {  	s20 =	sld [smem:$0x3FDB];
	_ =	sdelay $0x1  }
0xa1: {  	s8 =	simm.s32 $_scs_section_size  }
0xa2: {  	s9 =	simm.s32 $_size__tile_overlayer_lowered;
	s10 =	simm.s32 $_tile_overlayer_lowered  }
0xa3: {  	s23 =	simm.s32 $0x1BFF;
	s22 =	sshll.u32 s10, $0x1;
	s7 =	sadd.s32 s8, s20  }
0xa4: {  	s11 =	simm.s32 $0x0;
	s21 =	sshll.u32 s9, $0x1;
	s9 =	sadd.s32 s22, s7  }
0xa5: {  	[timem:s11], [sflag:s23] =	dma.local [hbm:s9], s21  }
0xa6: {  	_ =	swait.ge [sflag:s23], s21  }
0xa7: {  	s8 =	ssub.s32 $0x0, s21;
	[sflag:s23] =	ssyncset.done $0x0  }
0xa8: {  	[sflag:s23] =	ssyncadd.s32 s8;
	_ =	sdelay $0x1  }
0xa9: {  	s24 =	simm.s32 $0x1B8B  }
0xaa: {  	_ =	swait.ge [sflag:s24], $0x1  }
0xab: {  	[sflag:s24] =	ssyncset.done $0x0  }
0xac: {  	s25 =	simm.s32 $0x1B8E;
	[sflag:s24] =	ssyncadd.s32 $0xFFFFFFFF  }
0xad: {  	s26 =	simm.s32 $execute0_lowered;
	[smem:$0x3FD2] =	sst s25  }
0xae: {  	s8 =	sshll.u32 s26, $0x1;
	_ =	strace $0x80000046;
	[dreg:$0x1] =	wrdreg $0xFFFFFFFF  }
0xaf: {  	s28 =	simm.s32 $_size_execute0_lowered;
	s7 =	sadd.s32 s7, s8;
	[dreg:$0x0] =	wrdreg $0x0  }
0xb0: {  	s8 =	sshll.u32 s28, $0x1;
	[dreg:$0x2] =	wrdreg s7  }
0xb1: {  	[dreg:$0x3] =	wrdreg s8  }
0xb2: {  	[dreg:$0x4] =	wrdreg $0xC0  }
0xb3: {  	_ =	task [dreg:s11], $0x5FFFF  }
0xb4: {  	[dreg:$0x1] =	wrdreg $0xFFFFFFFF  }
0xb5: {  	[dreg:$0x0] =	wrdreg $0x60  }
0xb6: {  	[dreg:$0x2] =	wrdreg s16  }
0xb7: {  	[dreg:$0x3] =	wrdreg s4  }
0xb8: {  	[dreg:$0x4] =	wrdreg s5  }
0xb9: {  	[dreg:$0x5] =	wrdreg s18  }
0xba: {  	[dreg:$0x6] =	wrdreg s17  }
0xbb: {  	[dreg:$0x7] =	wrdreg $0x9  }
0xbc: {  	_ =	task.clear_ibuf [dreg:s11], $0x8FFFF;
	_ =	strace $0x90000046  }
0xbd: {  	s29 =	simm.s32 $0x9;
	_ =	strace $0x80000048  }
0xbe: {  	_ =	swait.ge [sflag:s29], $0x1  }
0xbf: {  	[sflag:s29] =	ssyncadd.s32 $0xFFFFFFFF  }
0xc0: {  	_ =	strace $0x90000048  }
0xc1: {  	_ =	sfence  }
0xc2: {  	s30 =	sld [smem:$0x0];
	_ =	sdelay $0x2  }
0xc3: {  	s31 =	sshll.u32 s1, $0xD;
	s1 =	sshrl.u32 s1, $0x2  }
0xc4: {  	s3 =	sand.u32 $0x4000, s31;
	s1 =	sadd.s32 s1, s30  }
0xc5: {  	s0 =	sor.u32 s3, s0;
	s1 =	sshll.u32 s1, $0x11  }
0xc6: {  	s0 =	sor.u32 s1, s0  }
0xc7: {  	s0 =	sadd.s32 $0x8F2B, s0  }
0xc8: {  	[sflag:s0] =	ssyncadd.remote.s32 $0x1  }
0xc9: {  	_ =	sfence.sel $0xFFFF  }
0xca: {  	[dreg:$0x0] =	wrdreg $0xFFFFFFFF;
	(pc) =	sbr.abs _section_cstart, $3  }
0xcb: {  	[dreg:$0x1] =	wrdreg $0xFFFFFFFF  }
0xcc: {  	_ =	task.clear_ibuf [dreg:s11], $0x2FFFF;
	_ =	strace $0x9FFFFFFF  }
0xcd: {  	(tm) =	ssettm $0x7FFFFFFF  }
tec
execute0_lowered:
.L_overlay_start_1:
0x0: {  	(tag) =	ssettag $0x1  }
0x1: {  	s5 =	rddreg [dreg:$0x0];
	s1 =	stileid.u32  }
0x2: {  	s2 =	rddreg [dreg:$0x1];
	p0 =	sgt.u32 s1, $0x3  }
.Ltmp0:
0x3: {  	s3 =	rddreg [dreg:$0x2];
	(pc) =	sbr.rel @p0 .LBB2_4-.Ltmp0, $4  }
0x4: {  	s9 =	rddreg [dreg:$0x3]  }
0x5: {  	s11 =	rddreg [dreg:$0x4];
	s4 =	simm.s32 $0x0  }
0x6: {  	[smem:$0x7FF] =	sst s4  }
0x7: {  	s0 =	rddreg [dreg:$0x5];
	_ =	strace $0x80000047  }
0x8: {  	s6 =	srdreg.scid  }
0x9: {  	s10 =	sand.u32 $0x1, s6  }
0xa: {  	s30 =	sshll.u32 s1, $0x2;
	s7 =	sshll.u32 s10, $0x1  }
0xb: {  	s12 =	sor.u32 s7, s30  }
0xc: {  	s6 =	sadd.s32 s5, s12;
	s5 =	simm.s32 $0x1  }
0xd: {  	[tilespmem:s4], [sflag:$0x1] =	stream.linear.gather [hbm4b:s6+s4], $0x10, $0x38;
	[tilespmem:$0x980] =	vst v63  }
0xe: {  	_ =	swait.ge [sflag:s5], $0x10  }
0xf: {  	[sflag:s5] =	ssyncset.done $0x0  }
0x10: {  	s7 =	simm.s32 $0x180;
	[sflag:s5] =	ssyncadd.s32 $0xFFFFFFF0  }
0x11: {  	[tilespmem:s7], [sflag:$0x1] =	stream.linear.gather [hbm4b:s2+s4], $0x400, $0x38;
	[tilespmem:$0x980] =	vst v63  }
0x12: {  	_ =	swait.ge [sflag:s5], $0x400  }
0x13: {  	[sflag:s5] =	ssyncset.done $0x0  }
0x14: {  	s8 =	simm.s32 $0x580;
	[sflag:s5] =	ssyncadd.s32 $0xFFFFFC00  }
0x15: {  	[tilespmem:s8], [sflag:$0x1] =	stream.linear.gather [hbm4b:s3+s4], $0x400, $0x38;
	[tilespmem:$0x980] =	vst v63  }
0x16: {  	_ =	swait.ge [sflag:s5], $0x400  }
0x17: {  	[sflag:s5] =	ssyncset.done $0x0  }
0x18: {  	[sflag:s5] =	ssyncadd.s32 $0xFFFFFC00  }
0x19: {  	v0 =	vld [tilespmem:$0x0];
	_ =	sdelay $0x7  }
0x1a: {  	v1 =	vld.idx.msk [tilespmem:v0+s7+$0x0], $0xffff;
	_ =	sdelay $0x4  }
0x1b: {  	[tilespmem:$0x80] =	vst v1  }
0x1c: {  	v0 =	vld.idx.msk [tilespmem:v0+s8+$0x0], $0xffff;
	_ =	sdelay $0x1  }
0x1d: {  	s13 =	ssub.s32 $0x2, s10  }
0x1e: {  	s14 =	sshrl.u32 s13, $0x1  }
0x1f: {  	s31 =	ssub.s32 s13, s14  }
0x20: {  	s10 =	simm.s32 $0x80;
	s9 =	sadd.s32 s9, s12;
	s13 =	smax.u32 s31, $0x1;
	[tilespmem:$0x100] =	vst v0  }
0x21: {  	[hbm4b:s9+s4] =	stream.linear.scatter [tilespmem:s10], [sflag:$0x1], $0x10, $0x38;
	[tilespmem:$0x980] =	vst v63  }
0x22: {  	p0 =	sne.s32 s13, $0x1;
	_ =	swait.ge [sflag:s5], $0x10  }
.Ltmp1:
0x23: {  	[sflag:s5] =	ssyncset.done $0x0;
	(pc) =	sbr.rel @!p0 .LBB2_3-.Ltmp1, $4  }
0x24: {  	s11 =	sadd.s32 s11, s12;
	s12 =	simm.s32 $0x100;
	[sflag:s5] =	ssyncadd.s32 $0xFFFFFFF0  }
0x25: {  	[hbm4b:s11+s4] =	stream.linear.scatter [tilespmem:s12], [sflag:$0x1], $0x10, $0x38;
	[tilespmem:$0x980] =	vst v63  }
0x26: {  	_ =	swait.ge [sflag:s5], $0x10  }
0x27: {  	s13 =	sadd.s32 $0xFFFFFFFF, s13;
	[sflag:s5] =	ssyncset.done $0x0  }
.LBB2_2:
0x28: {  	p0 =	sne.s32 s13, $0x1;
	s13 =	sadd.s32 $0xFFFFFFFF, s13;
	[sflag:s5] =	ssyncadd.s32 $0xFFFFFFF0  }
0x29: {  	[tilespmem:s4], [sflag:$0x1] =	stream.linear.gather [hbm4b:s6+s4], $0x10, $0x38;
	[tilespmem:$0x980] =	vst v63  }
0x2a: {  	_ =	swait.ge [sflag:s5], $0x10  }
0x2b: {  	[sflag:s5] =	ssyncset.done $0x0  }
0x2c: {  	[sflag:s5] =	ssyncadd.s32 $0xFFFFFFF0  }
0x2d: {  	[tilespmem:s7], [sflag:$0x1] =	stream.linear.gather [hbm4b:s2+s4], $0x400, $0x38;
	[tilespmem:$0x980] =	vst v63  }
0x2e: {  	_ =	swait.ge [sflag:s5], $0x400  }
0x2f: {  	[sflag:s5] =	ssyncset.done $0x0  }
0x30: {  	[sflag:s5] =	ssyncadd.s32 $0xFFFFFC00  }
0x31: {  	[tilespmem:s8], [sflag:$0x1] =	stream.linear.gather [hbm4b:s3+s4], $0x400, $0x38;
	[tilespmem:$0x980] =	vst v63  }
0x32: {  	_ =	swait.ge [sflag:s5], $0x400  }
0x33: {  	[sflag:s5] =	ssyncset.done $0x0  }
0x34: {  	[sflag:s5] =	ssyncadd.s32 $0xFFFFFC00  }
0x35: {  	v0 =	vld [tilespmem:$0x0];
	_ =	sdelay $0x7  }
0x36: {  	v1 =	vld.idx.msk [tilespmem:v0+s7+$0x0], $0xffff;
	_ =	sdelay $0x5  }
0x37: {  	[tilespmem:$0x80] =	vst v1  }
0x38: {  	v0 =	vld.idx.msk [tilespmem:v0+s8+$0x0], $0xffff;
	_ =	sdelay $0x5  }
0x39: {  	[tilespmem:$0x100] =	vst v0  }
0x3a: {  	[hbm4b:s9+s4] =	stream.linear.scatter [tilespmem:s10], [sflag:$0x1], $0x10, $0x38;
	[tilespmem:$0x980] =	vst v63  }
0x3b: {  	_ =	swait.ge [sflag:s5], $0x10  }
.Ltmp2:
0x3c: {  	[sflag:s5] =	ssyncset.done $0x0;
	(pc) =	sbr.rel @p0 .LBB2_2-.Ltmp2, $4  }
0x3d: {  	[sflag:s5] =	ssyncadd.s32 $0xFFFFFFF0  }
0x3e: {  	[hbm4b:s11+s4] =	stream.linear.scatter [tilespmem:s12], [sflag:$0x1], $0x10, $0x38;
	[tilespmem:$0x980] =	vst v63  }
0x3f: {  	_ =	swait.ge [sflag:s5], $0x10  }
0x40: {  	[sflag:s5] =	ssyncset.done $0x0  }
.LBB2_3:
0x41: {  	[sflag:s5] =	ssyncadd.s32 $0xFFFFFFF0  }
.LBB2_4:
0x42: {  	_ =	sfence.sel $0x180000  }
0x43: {  	[bflag:$0x0] =	sbarrier.arrive $0xFFFF  }
0x44: {  	p0 =	sne.s32 s1, $0x0;
	_ =	strace $0x90000047  }
0x45: {  	s0 =	sadd.s32 @!p0 $0x100000, s0;
	[bflag:$0x2] =	sbarrier.arrive $0xFFFF  }
0x46: {  	[sflag:s0] =	ssyncadd.tile.s32 @!p0 $0x1;
	_ =	shalt  }
.Lfunc_end2:
_tile_overlayer_lowered:
.L_overlay_start_2:
0x47: {  	(tag) =	ssettag $0x2  }
0x48: {  	s0 =	rddreg [dreg:$0x0];
	s2 =	stileid.u32  }
0x49: {  	s1 =	rddreg [dreg:$0x1];
	p0 =	sne.s32 s2, $0x0  }
0x4a: {  	s3 =	rddreg [dreg:$0x2];
	[bflag:$0x3] =	sbarrier.arrive $0xFFFF;
	s2 =	simm.s32 @!p0 $0x1C01  }
0x4b: {  	[timem:s3], [sflag:s2] =	dma.local @!p0 [hbm:s0], s1  }
0x4c: {  	s0 =	simm.s32 @!p0 $0x1  }
0x4d: {  	_ =	swait.ge @!p0 [sflag:s0], s1  }
0x4e: {  	s1 =	ssub.s32 @!p0 $0x0, s1;
	[sflag:s0] =	ssyncset.done @!p0 $0x0  }
0x4f: {  	[sflag:s0] =	ssyncadd.s32 @!p0 s1  }
0x50: {  	[bflag:$0x3] =	sbarrier.arrive $0xFFFF  }
0x51: {  	_ =	shalt  }

</sc_bundles>
